<compile_context>
chip_gen: v7x
topology: tpu7x:2x2x1
jax: 0.10.2.dev20260603
libtpu: 0.0.44.dev20260713+nightly
codegen_flags: <defaults>
</compile_context>

<pallas_src>
import functools

import jax
import jax.numpy as jnp
from jax import lax
from jax.experimental import pallas as pl
from jax.experimental.pallas import tpu as pltpu
from jax.experimental.pallas import tpu_sc as plsc

LANES = 16
ROWS_SC = 4096


def _sc_body(n_cat, rows_w, n_cores,
             x_hbm, tab_hbm, min_hbm, out_hbm,
             x_v, out_v, tab_v, min_v):
    wid = lax.axis_index("s") * n_cores + lax.axis_index("c")
    base = wid * rows_w
    pltpu.sync_copy(x_hbm.at[pl.ds(base, rows_w)], x_v)
    pltpu.sync_copy(tab_hbm, tab_v)
    pltpu.sync_copy(min_hbm, min_v)

    c0 = lax.iota(jnp.int32, LANES)
    c1 = c0 + (n_cat - LANES)
    m0 = plsc.load_gather(min_v, [c0])
    m1 = plsc.load_gather(min_v, [c1])
    s1 = n_cat - LANES

    @plsc.parallel_loop(0, rows_w)
    def _(r):
        v0 = x_v[r, pl.ds(0, LANES)] - m0
        out_v[r, pl.ds(0, LANES)] = plsc.load_gather(tab_v, [c0, v0])
        v1 = x_v[r, pl.ds(s1, LANES)] - m1
        out_v[r, pl.ds(s1, LANES)] = plsc.load_gather(tab_v, [c1, v1])

    pltpu.sync_copy(out_v, out_hbm.at[pl.ds(base, rows_w)])


def _sc_run(x_sc, map_table, min_vals):
    rows, n_cat = x_sc.shape
    info = plsc.get_sparse_core_info()
    n_workers = info.num_cores * info.num_subcores
    rows_w = rows // n_workers
    assert rows == rows_w * n_workers and rows_w % 8 == 0

    mesh = plsc.VectorSubcoreMesh(core_axis_name="c", subcore_axis_name="s")
    body = functools.partial(_sc_body, n_cat, rows_w, info.num_cores)
    run = pl.kernel(
        body,
        out_type=jax.ShapeDtypeStruct((rows, n_cat), jnp.int32),
        mesh=mesh,
        scratch_types=[
            pltpu.VMEM((rows_w, n_cat), jnp.int32),
            pltpu.VMEM((rows_w, n_cat), jnp.int32),
            pltpu.VMEM(map_table.shape, jnp.int32),
            pltpu.VMEM(min_vals.shape, jnp.int32),
        ],
        compiler_params=pltpu.CompilerParams(needs_layout_passes=False,
                                             skip_device_barrier=True),
    )
    return run(x_sc, map_table, min_vals)


def _tc_body(xT_ref, tab_ref, min_ref, outT_ref):
    v = xT_ref[...] - min_ref[...]
    outT_ref[...] = jnp.take_along_axis(
        tab_ref[...], v, axis=1, mode="promise_in_bounds")


def _tc_run(x_tc, map_table, min_vals):
    rows, n_cat = x_tc.shape
    run = pl.pallas_call(
        _tc_body,
        out_shape=jax.ShapeDtypeStruct((n_cat, rows), jnp.int32),
    )
    return run(x_tc.T, map_table, min_vals[:, None]).T


def kernel(x, map_table, min_vals):
    batch, n_cat = x.shape
    assert LANES < n_cat <= 2 * LANES and batch > ROWS_SC
    out_sc = _sc_run(x[:ROWS_SC], map_table, min_vals)
    out_tc = _tc_run(x[ROWS_SC:], map_table, min_vals)
    return jnp.concatenate([out_sc, out_tc], axis=0)

# --- scband reference (transcript-rebuilt; emitter-appended) ---
"""Pipeline reference for scband-categorical-tokenizer-new-39264591020335 (READ-ONLY COPY).

The authoritative reference and input builder live on the scoring server;
editing this copy changes nothing except your own understanding.
"""

import jax, jax.numpy as jnp
import numpy as np

EMPTY_INT = -99999
N_CAT = 26
N_VALS = 50
PLACEHOLDER = 15
BATCH = 16384


def _build_table():
    # Replicates CategoricalTokenizer_New.__init__ / LookUpTable construction.
    # Each of the 26 categories has expected values range(50).
    vals = np.stack([np.arange(N_VALS, dtype=np.int32) for _ in range(N_CAT)])
    # prepare_mapping pads to local_max (all equal length here, so no-op)
    arr = np.concatenate([vals, np.full((N_CAT, 1), PLACEHOLDER, dtype=np.int32)], axis=-1)
    minimum = arr.min(axis=-1)
    idx_arr = arr - minimum[:, None]
    upper_bound = int(idx_arr.max()) + 1
    mapping = np.full((N_CAT, upper_bound), EMPTY_INT, dtype=np.int32)
    stride = 0
    for i in range(N_CAT):
        uniq = np.unique(idx_arr[i])
        mapping[i, uniq] = np.arange(stride, stride + len(uniq), dtype=np.int32)
        stride += len(uniq)
    return jnp.asarray(mapping), jnp.asarray(minimum.astype(np.int32))


def setup_inputs(seed: int = 0) -> dict:
    key = jax.random.key(seed)
    map_table, min_vals = _build_table()
    x = jax.random.randint(key, (BATCH, N_CAT), 0, N_VALS, dtype=jnp.int32)
    return {"x": x, "map_table": map_table, "min_vals": min_vals}


def reference(x, map_table, min_vals):
    # forward: self.map[self.indices, x - self.min]
    indices = jnp.arange(map_table.shape[0])  # [N_CAT]
    # advanced indexing broadcasts indices [26] against (x - min) [B, 26] -> [B, 26]
    return map_table[indices, x - min_vals]

if __name__ == "__main__":
    import jax
    _d = setup_inputs()
    print(jax.jit(kernel)(*tuple(_d.values())))

</pallas_src>

<mosaic_0001>
#map = affine_map<(d0, d1) -> (0, 0)>
#map1 = affine_map<(d0, d1) -> (0)>
module attributes {stable_mosaic.version = 14 : i64} {
  func.func @_sc_body(%arg0: i32, %arg1: i32, %arg2: memref<4096x26xi32, #tpu.memory_space<hbm>>, %arg3: memref<26x50xi32, #tpu.memory_space<hbm>>, %arg4: memref<26xi32, #tpu.memory_space<hbm>>, %arg5: memref<4096x26xi32, #tpu.memory_space<hbm>>, %arg6: memref<128x26xi32, #tpu.memory_space<vmem>>, %arg7: memref<128x26xi32, #tpu.memory_space<vmem>>, %arg8: memref<26x50xi32, #tpu.memory_space<vmem>>, %arg9: memref<26xi32, #tpu.memory_space<vmem>>) attributes {dimension_semantics = [#tpu.dimension_semantics<core_parallel>, #tpu.dimension_semantics<subcore_parallel>], iteration_bounds = array<i64: 2, 16>, scalar_prefetch = 0 : i64, scratch_operands = 4 : i64, tpu.core_type = #tpu.core_type<sc_vector_subcore>, window_params = [{transform_indices = #map}, {transform_indices = #map}, {transform_indices = #map1}, {transform_indices = #map}]} {
    %mul3A = arith.constant 2 : i32
    %mul3A_0 = arith.muli %arg1, %mul3A : i32
    %add3A = arith.addi %mul3A_0, %arg0 : i32
    %mul3A_1 = arith.constant 128 : i32
    %mul3A_2 = arith.muli %add3A, %mul3A_1 : i32
    "tpu.region"() ({
      %run_scoped3A = tpu.sem_alloc : memref<!tpu.dma_semaphore, #tpu.memory_space<semaphore_mem>>
      %dma_start3A = arith.constant 0 : i32
      %dma_start3A_9 = tpu.memref_slice %arg2[%mul3A_2, %dma_start3A] : memref<4096x26xi32, #tpu.memory_space<hbm>> -> memref<128x26xi32, #tpu.memory_space<hbm>>
      %dma_start3A_10 = arith.constant 0 : i32
      %dma_start3A_11 = tpu.memref_slice %arg2[%mul3A_2, %dma_start3A_10] : memref<4096x26xi32, #tpu.memory_space<hbm>> -> memref<128x26xi32, #tpu.memory_space<hbm>>
      tpu.enqueue_dma source(%dma_start3A_11 : memref<128x26xi32, #tpu.memory_space<hbm>>) target(%arg6 : memref<128x26xi32, #tpu.memory_space<vmem>>) target_semaphore(%run_scoped3A : memref<!tpu.dma_semaphore, #tpu.memory_space<semaphore_mem>>)
      %dma_wait3A = arith.constant 0 : i32
      %dma_wait3A_12 = tpu.memref_slice %arg2[%mul3A_2, %dma_wait3A] : memref<4096x26xi32, #tpu.memory_space<hbm>> -> memref<128x26xi32, #tpu.memory_space<hbm>>
      %dma_wait3A_13 = arith.constant 0 : i32
      %dma_wait3A_14 = tpu.memref_slice %arg2[%mul3A_2, %dma_wait3A_13] : memref<4096x26xi32, #tpu.memory_space<hbm>> -> memref<128x26xi32, #tpu.memory_space<hbm>>
      tpu.wait_dma2 semaphore(%run_scoped3A : memref<!tpu.dma_semaphore, #tpu.memory_space<semaphore_mem>>) src(%dma_wait3A_14 : memref<128x26xi32, #tpu.memory_space<hbm>>) dst(%arg6 : memref<128x26xi32, #tpu.memory_space<vmem>>)
      tpu.yield
    }) : () -> ()
    "tpu.region"() ({
      %run_scoped3A = tpu.sem_alloc : memref<!tpu.dma_semaphore, #tpu.memory_space<semaphore_mem>>
      tpu.enqueue_dma source(%arg3 : memref<26x50xi32, #tpu.memory_space<hbm>>) target(%arg8 : memref<26x50xi32, #tpu.memory_space<vmem>>) target_semaphore(%run_scoped3A : memref<!tpu.dma_semaphore, #tpu.memory_space<semaphore_mem>>)
      tpu.wait_dma2 semaphore(%run_scoped3A : memref<!tpu.dma_semaphore, #tpu.memory_space<semaphore_mem>>) src(%arg3 : memref<26x50xi32, #tpu.memory_space<hbm>>) dst(%arg8 : memref<26x50xi32, #tpu.memory_space<vmem>>)
      tpu.yield
    }) : () -> ()
    "tpu.region"() ({
      %run_scoped3A = tpu.sem_alloc : memref<!tpu.dma_semaphore, #tpu.memory_space<semaphore_mem>>
      tpu.enqueue_dma source(%arg4 : memref<26xi32, #tpu.memory_space<hbm>>) target(%arg9 : memref<26xi32, #tpu.memory_space<vmem>>) target_semaphore(%run_scoped3A : memref<!tpu.dma_semaphore, #tpu.memory_space<semaphore_mem>>)
      tpu.wait_dma2 semaphore(%run_scoped3A : memref<!tpu.dma_semaphore, #tpu.memory_space<semaphore_mem>>) src(%arg4 : memref<26xi32, #tpu.memory_space<hbm>>) dst(%arg9 : memref<26xi32, #tpu.memory_space<vmem>>)
      tpu.yield
    }) : () -> ()
    %iota3A = tpu.iota {dimensions = array<i32: 0>} : vector<16xi32>
    %add3A_3 = arith.constant 10 : i32
    %add3A_4 = vector.broadcast %add3A_3 : i32 to vector<16xi32>
    %add3A_5 = arith.addi %iota3A, %add3A_4 : vector<16xi32>
    %gather3A = tpu.vector_load_idx %arg9[%iota3A] : memref<26xi32, #tpu.memory_space<vmem>>[vector<16xi32>], vector<16xi32>,
    %gather3A_6 = tpu.vector_load_idx %arg9[%add3A_5] : memref<26xi32, #tpu.memory_space<vmem>>[vector<16xi32>], vector<16xi32>,
    %parallel_loop3A = arith.constant 0 : i32
    %parallel_loop3A_7 = arith.constant 128 : i32
    %parallel_loop3A_8 = arith.constant 1 : i32
    scf.for %parallel_loop3A_9 = %parallel_loop3A to %parallel_loop3A_7 step %parallel_loop3A_8  : i32 {
      %parallel_loop3A_10 = arith.index_cast %parallel_loop3A_9 : i32 to index
      %parallel_loop3A_11 = arith.constant 0 : index
      %parallel_loop3A_12 = tpu.vector_load %arg6[%parallel_loop3A_10, %parallel_loop3A_11] {strides = array<i32>} : memref<128x26xi32, #tpu.memory_space<vmem>>, vector<16xi32>,
      %parallel_loop3A_13 = arith.subi %parallel_loop3A_12, %gather3A : vector<16xi32>
      %parallel_loop3A_14 = tpu.vector_load_idx %arg8[%iota3A, %parallel_loop3A_13] : memref<26x50xi32, #tpu.memory_space<vmem>>[vector<16xi32>, vector<16xi32>], vector<16xi32>,
      %parallel_loop3A_15 = arith.index_cast %parallel_loop3A_9 : i32 to index
      %parallel_loop3A_16 = arith.constant 0 : index
      %parallel_loop3A_17 = tpu.vector_load %arg7[%parallel_loop3A_15, %parallel_loop3A_16] {strides = array<i32>} : memref<128x26xi32, #tpu.memory_space<vmem>>, vector<16xi32>,
      tpu.vector_store %arg7[%parallel_loop3A_15, %parallel_loop3A_16], %parallel_loop3A_14 {strides = array<i32>} : memref<128x26xi32, #tpu.memory_space<vmem>>, vector<16xi32>,
      %parallel_loop3A_18 = arith.index_cast %parallel_loop3A_9 : i32 to index
      %parallel_loop3A_19 = arith.constant 10 : index
      %parallel_loop3A_20 = tpu.vector_load %arg6[%parallel_loop3A_18, %parallel_loop3A_19] {strides = array<i32>} : memref<128x26xi32, #tpu.memory_space<vmem>>, vector<16xi32>,
      %parallel_loop3A_21 = arith.subi %parallel_loop3A_20, %gather3A_6 : vector<16xi32>
      %parallel_loop3A_22 = tpu.vector_load_idx %arg8[%add3A_5, %parallel_loop3A_21] : memref<26x50xi32, #tpu.memory_space<vmem>>[vector<16xi32>, vector<16xi32>], vector<16xi32>,
      %parallel_loop3A_23 = arith.index_cast %parallel_loop3A_9 : i32 to index
      %parallel_loop3A_24 = arith.constant 10 : index
      %parallel_loop3A_25 = tpu.vector_load %arg7[%parallel_loop3A_23, %parallel_loop3A_24] {strides = array<i32>} : memref<128x26xi32, #tpu.memory_space<vmem>>, vector<16xi32>,
      tpu.vector_store %arg7[%parallel_loop3A_23, %parallel_loop3A_24], %parallel_loop3A_22 {strides = array<i32>} : memref<128x26xi32, #tpu.memory_space<vmem>>, vector<16xi32>,
    } {sc.loop_unroll_factor = 1 : i64, sc.parallel_access}
    "tpu.region"() ({
      %run_scoped3A = tpu.sem_alloc : memref<!tpu.dma_semaphore, #tpu.memory_space<semaphore_mem>>
      %dma_start3A = arith.constant 0 : i32
      %dma_start3A_9 = tpu.memref_slice %arg5[%mul3A_2, %dma_start3A] : memref<4096x26xi32, #tpu.memory_space<hbm>> -> memref<128x26xi32, #tpu.memory_space<hbm>>
      %dma_start3A_10 = arith.constant 0 : i32
      %dma_start3A_11 = tpu.memref_slice %arg5[%mul3A_2, %dma_start3A_10] : memref<4096x26xi32, #tpu.memory_space<hbm>> -> memref<128x26xi32, #tpu.memory_space<hbm>>
      tpu.enqueue_dma source(%arg7 : memref<128x26xi32, #tpu.memory_space<vmem>>) target(%dma_start3A_11 : memref<128x26xi32, #tpu.memory_space<hbm>>) target_semaphore(%run_scoped3A : memref<!tpu.dma_semaphore, #tpu.memory_space<semaphore_mem>>)
      %dma_wait3A = arith.constant 0 : i32
      %dma_wait3A_12 = tpu.memref_slice %arg5[%mul3A_2, %dma_wait3A] : memref<4096x26xi32, #tpu.memory_space<hbm>> -> memref<128x26xi32, #tpu.memory_space<hbm>>
      %dma_wait3A_13 = arith.constant 0 : i32
      %dma_wait3A_14 = tpu.memref_slice %arg5[%mul3A_2, %dma_wait3A_13] : memref<4096x26xi32, #tpu.memory_space<hbm>> -> memref<128x26xi32, #tpu.memory_space<hbm>>
      tpu.wait_dma2 semaphore(%run_scoped3A : memref<!tpu.dma_semaphore, #tpu.memory_space<semaphore_mem>>) src(%arg7 : memref<128x26xi32, #tpu.memory_space<vmem>>) dst(%dma_wait3A_14 : memref<128x26xi32, #tpu.memory_space<hbm>>)
      tpu.yield
    }) : () -> ()
    return
  }
}

module attributes {stable_mosaic.version = 14 : i64} {
  func.func @_tc_body(%arg0: memref<26x12288xi32, #tpu.memory_space<vmem>>, %arg1: memref<26x50xi32, #tpu.memory_space<vmem>>, %arg2: memref<26x1xi32, #tpu.memory_space<vmem>>, %arg3: memref<26x12288xi32, #tpu.memory_space<vmem>>) attributes {dimension_semantics = [], scalar_prefetch = 0 : i64, scratch_operands = 0 : i64, tpu.core_type = #tpu.core_type<tc>} {
    %get3A = arith.constant 0 : index
    %get3A_0 = arith.constant 0 : index
    %get3A_1 = vector.load %arg0[%get3A, %get3A_0] : memref<26x12288xi32, #tpu.memory_space<vmem>>, vector<26x12288xi32>
    %get3A_2 = arith.constant 0 : index
    %get3A_3 = arith.constant 0 : index
    %get3A_4 = vector.load %arg2[%get3A_2, %get3A_3] : memref<26x1xi32, #tpu.memory_space<vmem>>, vector<26x1xi32>
    %sub3A = vector.broadcast %get3A_4 : vector<26x1xi32> to vector<26x12288xi32>
    %sub3A_5 = arith.subi %get3A_1, %sub3A : vector<26x12288xi32>
    %get3A_6 = arith.constant 0 : index
    %get3A_7 = arith.constant 0 : index
    %get3A_8 = vector.load %arg1[%get3A_6, %get3A_7] : memref<26x50xi32, #tpu.memory_space<vmem>>, vector<26x50xi32>
    %reshape3A = vector.shape_cast %sub3A_5 : vector<26x12288xi32> to vector<26x12288x1xi32>
    %gather3A = vector.shape_cast %reshape3A : vector<26x12288x1xi32> to vector<26x12288xi32>
    %gather3A_9 = tpu.dynamic_gather %get3A_8[%gather3A] in [1] : vector<26x50xi32>, vector<26x12288xi32> -> vector<26x12288xi32>
    %swap3A = arith.constant 0 : index
    %swap3A_10 = arith.constant 0 : index
    %swap3A_11 = vector.load %arg3[%swap3A, %swap3A_10] : memref<26x12288xi32, #tpu.memory_space<vmem>>, vector<26x12288xi32>
    tpu.vector_store %arg3[%swap3A, %swap3A_10], %gather3A_9 {strides = array<i32>} : memref<26x12288xi32, #tpu.memory_space<vmem>>, vector<26x12288xi32>,
    return
  }
}

</mosaic_0001>

<sc_bundles>
// kernel: kernel.4.cloned.1.call-start
scs
__scs_entry_jumppad:
0x0: {  	(pc) =	sbr.rel $0x88, $3  }
0x1: {  	(tag) =	ssettag $0x0;
	lr =	simm.s32 $0x1  }
0x2: {  	[smem:$0x3F9E] =	sst lr;
	_ =	strace $0xD0000000  }
0x3: {  	_ = 	snop  }
0x4: {  	_ = 	snop  }
0x5: {  	_ = 	snop  }
0x6: {  	_ = 	snop  }
0x7: {  	_ = 	snop  }
__scs_overlays_trampoline_lowered:
0x8: {  	[smem:$0x3FAD] =	sst s0  }
0x9: {  	[smem:$0x3FAE] =	sst s1  }
0xa: {  	[smem:$0x3FAF] =	sst s2  }
0xb: {  	[smem:$0x3FB0] =	sst s3  }
0xc: {  	[smem:$0x3FB1] =	sst s4  }
0xd: {  	[smem:$0x3FB2] =	sst s5  }
0xe: {  	[smem:$0x3FB3] =	sst s6  }
0xf: {  	[smem:$0x3FB4] =	sst s7  }
0x10: {  	[smem:$0x3FB5] =	sst s8  }
0x11: {  	[smem:$0x3FB6] =	sst s9;
	s0 =	simm.s32 @!p0 $0x0  }
0x12: {  	s1 =	sld [smem:$0x3F9C];
	s0 =	simm.s32 @p0 $0x1  }
0x13: {  	[smem:$0x3FB7] =	sst s0;
	s0 =	simm.s32 @!p1 $0x0  }
0x14: {  	s2 =	sld [smem:$0x3F9B];
	s0 =	simm.s32 @p1 $0x1  }
0x15: {  	[smem:$0x3FB8] =	sst s0;
	s0 =	simm.s32 @!p2 $0x0  }
0x16: {  	s3 =	sld [smem:$0x3FDB];
	s0 =	simm.s32 @p2 $0x1  }
0x17: {  	s4 =	simm.s32 $0x1BF5;
	[smem:$0x3FBA] =	sst s0  }
0x18: {  	s0 =	sld [smem:$0x3F9D];
	_ =	swait.ge [sflag:s4], $0x0  }
0x19: {  	s7 =	sld [smem:$0x3F9E]  }
0x1a: {  	s8 =	sadd.s32 $0xFFFFE003, lr  }
0x1b: {  	s9 =	sadd.s32 $0xFFFFFEF7, lr;
	s5 =	simm.s32 $0xFFFFFFFF;
	p2 =	slt.u32 s8, $0xFFFFF086  }
0x1c: {  	p1 =	slt.u32 s9, $0xF7A;
	s5 =	simm.s32 @!p2 $0x0  }
0x1d: {  	s5 =	simm.s32 @p1 $0x1;
	p0 =	seq.s32 s7, s2  }
0x1e: {  	s7 =	smul.u32 @!p0 $0xF7A, s2;
	p2 =	seq.s32 @!p0 s5, $0x0  }
0x1f: {  	s9 =	smul.u32 $0xF7A, s1;
	s8 =	simm.s32 @!p0 $0x1BF5;
	p2 =	por !p2, p0  }
0x20: {  	[sflag:s8] =	ssyncset.s32 @!p0 $0xFFFFF086;
	s6 =	sadd.s32 @!p0 s3, s7;
	s7 =	simm.s32 @!p0 $0x108  }
0x21: {  	s3 =	sadd.s32 s3, s9;
	s6 =	sadd.s32 @!p0 $0x88, s6;
	s7 =	simm.s32 @p2 $0x1082  }
0x22: {  	[simem:s7], [sflag:s8] =	dma.local @!p0 [hbm:s6], $0xF7A  }
0x23: {  	s9 =	sor.u32 $0xD0000000, s2;
	s6 =	simm.s32 $0x108;
	_ =	swait.ge @!p0 [sflag:s8], $0x0  }
0x24: {  	s3 =	sadd.s32 $0x88, s3;
	s6 =	simm.s32 @!p1 $0x1082;
	[sflag:s4] =	ssyncset.s32 $0xFFFFF086  }
0x25: {  	[simem:s6], [sflag:s4] =	dma.local [hbm:s3], $0xF7A  }
0x26: {  	[smem:$0x3F9E] =	sst s1;
	(tag) =	ssettag s2;
	_ =	strace s9  }
0x27: {  	s1 =	sld [smem:$0x3FAE]  }
0x28: {  	s2 =	sld [smem:$0x3FAF]  }
0x29: {  	s4 =	sld [smem:$0x3FB1]  }
0x2a: {  	p0 =	seq.s32 s5, $0x0;
	s5 =	sld [smem:$0x3FB2]  }
0x2b: {  	s6 =	sld [smem:$0x3FB3]  }
0x2c: {  	s7 =	sld [smem:$0x3FB4]  }
0x2d: {  	s3 =	simm.s32 $0x108;
	s8 =	sld [smem:$0x3FB5]  }
0x2e: {  	s3 =	simm.s32 @!p0 $0x1082;
	s9 =	sld [smem:$0x3FB6]  }
0x2f: {  	lr =	sadd.s32 s0, s3;
	s0 =	sld [smem:$0x3FAD]  }
0x30: {  	s3 =	sld [smem:$0x3FB0]  }
0x31: {  	[smem:$0x3FB9] =	sst s10  }
0x32: {  	s10 =	sld [smem:$0x3FB7];
	_ =	sdelay $0x3  }
0x33: {  	p0 =	seq.s32 s10, $0x1;
	s10 =	sld [smem:$0x3FB9];
	_ =	sdelay $0x3  }
0x34: {  	[smem:$0x3FB9] =	sst s10  }
0x35: {  	s10 =	sld [smem:$0x3FB8];
	_ =	sdelay $0x3  }
0x36: {  	p1 =	seq.s32 s10, $0x1;
	s10 =	sld [smem:$0x3FB9];
	_ =	sdelay $0x3  }
0x37: {  	[smem:$0x3FB9] =	sst s10  }
0x38: {  	s10 =	sld [smem:$0x3FBA]  }
0x39: {  	_ = 	snop;
	(pc) =	sbr.ind lr, $3  }
0x3a: {  	_ = 	snop  }
0x3b: {  	_ = 	snop  }
0x3c: {  	p2 =	seq.s32 s10, $0x1;
	s10 =	sld [smem:$0x3FB9]  }
0x3d: {  	_ =	shalt  }
0x3e: {  	_ =	shalt  }
0x3f: {  	_ =	shalt  }
0x40: {  	_ =	shalt  }
0x41: {  	_ =	shalt  }
0x42: {  	_ =	shalt  }
0x43: {  	_ =	shalt  }
0x44: {  	_ =	shalt  }
0x45: {  	_ =	shalt  }
0x46: {  	_ =	shalt  }
0x47: {  	_ =	shalt  }
0x48: {  	_ =	shalt  }
0x49: {  	_ =	shalt  }
0x4a: {  	_ =	shalt  }
0x4b: {  	_ =	shalt  }
0x4c: {  	_ =	shalt  }
0x4d: {  	_ =	shalt  }
0x4e: {  	_ =	shalt  }
0x4f: {  	_ =	shalt  }
0x50: {  	_ =	shalt  }
0x51: {  	_ =	shalt  }
0x52: {  	_ =	shalt  }
0x53: {  	_ =	shalt  }
0x54: {  	_ =	shalt  }
0x55: {  	_ =	shalt  }
0x56: {  	_ =	shalt  }
0x57: {  	_ =	shalt  }
0x58: {  	_ =	shalt  }
0x59: {  	_ =	shalt  }
0x5a: {  	_ =	shalt  }
0x5b: {  	_ =	shalt  }
0x5c: {  	_ =	shalt  }
0x5d: {  	_ =	shalt  }
0x5e: {  	_ =	shalt  }
0x5f: {  	_ =	shalt  }
0x60: {  	_ =	shalt  }
0x61: {  	_ =	shalt  }
0x62: {  	_ =	shalt  }
0x63: {  	_ =	shalt  }
0x64: {  	_ =	shalt  }
0x65: {  	_ =	shalt  }
0x66: {  	_ =	shalt  }
0x67: {  	_ =	shalt  }
0x68: {  	_ =	shalt  }
0x69: {  	_ =	shalt  }
0x6a: {  	_ =	shalt  }
0x6b: {  	_ =	shalt  }
0x6c: {  	_ =	shalt  }
0x6d: {  	_ =	shalt  }
0x6e: {  	_ =	shalt  }
0x6f: {  	_ =	shalt  }
0x70: {  	_ =	shalt  }
0x71: {  	_ =	shalt  }
0x72: {  	_ =	shalt  }
0x73: {  	_ =	shalt  }
0x74: {  	_ =	shalt  }
0x75: {  	_ =	shalt  }
0x76: {  	_ =	shalt  }
0x77: {  	_ =	shalt  }
0x78: {  	_ =	shalt  }
0x79: {  	_ =	shalt  }
0x7a: {  	_ =	shalt  }
0x7b: {  	_ =	shalt  }
0x7c: {  	_ =	shalt  }
0x7d: {  	_ =	shalt  }
0x7e: {  	_ =	shalt  }
0x7f: {  	_ =	shalt  }
0x80: {  	_ =	shalt  }
0x81: {  	_ =	shalt  }
0x82: {  	_ =	shalt  }
0x83: {  	_ =	shalt  }
0x84: {  	_ =	shalt  }
0x85: {  	_ =	shalt  }
0x86: {  	_ =	shalt  }
0x87: {  	_ =	shalt  }
.Lfunc_end0:
.L_simem_size_0:
called_computation_lowered:
.L_overlay_start_0:
0x88: {  	s2 =	sld [smem:$0x3FD9]  }
0x89: {  	s3 =	sld [smem:$0x3FFE];
	_ =	sdelay $0x1  }
0x8a: {  	s1 =	srdreg.scid  }
0x8b: {  	s0 =	sand.u32 $0x1, s1  }
0x8c: {  	s17 =	sshll.u32 s0, $0xA;
	s2 =	sadd.s32 s3, s2  }
0x8d: {  	s2 =	sadd.s32 s2, s17  }
0x8e: {  	[smem:$0x3FC5] =	sst s2  }
0x8f: {  	_ = 	snop  }
0x90: {  	s2 =	sld [smem:$0x3FC8]  }
0x91: {  	s18 =	sld [smem:$0x3FC7]  }
0x92: {  	s4 =	sld [smem:$0x3FD0];
	(tm) =	ssettm $0x1  }
0x93: {  	s5 =	sld [smem:$0x3FFB];
	_ =	sdelay $0x3  }
0x94: {  	_ =	strace s5  }
0x95: {  	s5 =	sld [smem:$0x3FFC];
	_ =	sdelay $0x3  }
0x96: {  	_ =	strace s5  }
0x97: {  	s5 =	sld [smem:$0x3FFD];
	_ =	sdelay $0x3  }
0x98: {  	_ =	strace s5  }
0x99: {  	_ =	strace $0x8FFFFFFF  }
0x9a: {  	s19 =	sld [smem:$0x3FDB];
	_ =	sdelay $0x1  }
0x9b: {  	s6 =	simm.s32 $_scs_section_size  }
0x9c: {  	s7 =	simm.s32 $_size__tile_overlayer_lowered;
	s8 =	simm.s32 $_tile_overlayer_lowered  }
0x9d: {  	s22 =	simm.s32 $0x1BFF;
	s21 =	sshll.u32 s8, $0x1;
	s5 =	sadd.s32 s6, s19  }
0x9e: {  	s9 =	simm.s32 $0x0;
	s20 =	sshll.u32 s7, $0x1;
	s7 =	sadd.s32 s21, s5  }
0x9f: {  	[timem:s9], [sflag:s22] =	dma.local [hbm:s7], s20  }
0xa0: {  	_ =	swait.ge [sflag:s22], s20  }
0xa1: {  	s6 =	ssub.s32 $0x0, s20;
	[sflag:s22] =	ssyncset.done $0x0  }
0xa2: {  	[sflag:s22] =	ssyncadd.s32 s6;
	_ =	sdelay $0x1  }
0xa3: {  	s23 =	simm.s32 $0x1B8B  }
0xa4: {  	_ =	swait.ge [sflag:s23], $0x1  }
0xa5: {  	[sflag:s23] =	ssyncset.done $0x0  }
0xa6: {  	s25 =	simm.s32 $0x1B8E;
	s24 =	sld [smem:$0x3FFE];
	[sflag:s23] =	ssyncadd.s32 $0xFFFFFFFF  }
0xa7: {  	s26 =	simm.s32 $execute0_lowered;
	[smem:$0x3FD2] =	sst s25  }
0xa8: {  	s7 =	sshll.u32 s26, $0x1;
	_ =	strace $0x80000046;
	[dreg:$0x1] =	wrdreg $0xFFFFFFFF  }
0xa9: {  	s28 =	simm.s32 $_size_execute0_lowered;
	s5 =	sadd.s32 s5, s7;
	[dreg:$0x0] =	wrdreg $0x0  }
0xaa: {  	s7 =	sshll.u32 s28, $0x1;
	[dreg:$0x2] =	wrdreg s5  }
0xab: {  	[dreg:$0x3] =	wrdreg s7  }
0xac: {  	[dreg:$0x4] =	wrdreg $0xC0  }
0xad: {  	_ =	task [dreg:s9], $0x5FFFF  }
0xae: {  	[dreg:$0x1] =	wrdreg $0xFFFFFFFF  }
0xaf: {  	[dreg:$0x0] =	wrdreg $0x60  }
0xb0: {  	[dreg:$0x2] =	wrdreg s4  }
0xb1: {  	[dreg:$0x3] =	wrdreg s2  }
0xb2: {  	[dreg:$0x4] =	wrdreg s18  }
0xb3: {  	[dreg:$0x5] =	wrdreg s24  }
0xb4: {  	[dreg:$0x6] =	wrdreg $0x9  }
0xb5: {  	_ =	task.clear_ibuf [dreg:s9], $0x7FFFF;
	_ =	strace $0x90000046  }
0xb6: {  	s29 =	simm.s32 $0x9;
	_ =	strace $0x80000048  }
0xb7: {  	_ =	swait.ge [sflag:s29], $0x1  }
0xb8: {  	[sflag:s29] =	ssyncadd.s32 $0xFFFFFFFF  }
0xb9: {  	_ =	strace $0x90000048  }
0xba: {  	_ =	sfence  }
0xbb: {  	s30 =	sld [smem:$0x0];
	_ =	sdelay $0x2  }
0xbc: {  	s31 =	sshll.u32 s1, $0xD;
	s1 =	sshrl.u32 s1, $0x2  }
0xbd: {  	s3 =	sand.u32 $0x4000, s31;
	s1 =	sadd.s32 s1, s30  }
0xbe: {  	s0 =	sor.u32 s3, s0;
	s1 =	sshll.u32 s1, $0x11  }
0xbf: {  	s0 =	sor.u32 s1, s0  }
0xc0: {  	s0 =	sadd.s32 $0x8F2B, s0  }
0xc1: {  	[sflag:s0] =	ssyncadd.remote.s32 $0x1  }
0xc2: {  	_ =	sfence.sel $0xFFFF  }
0xc3: {  	[dreg:$0x0] =	wrdreg $0xFFFFFFFF;
	(pc) =	sbr.abs _section_cstart, $3  }
0xc4: {  	[dreg:$0x1] =	wrdreg $0xFFFFFFFF  }
0xc5: {  	_ =	task.clear_ibuf [dreg:s9], $0x2FFFF;
	_ =	strace $0x9FFFFFFF  }
0xc6: {  	(tm) =	ssettm $0x7FFFFFFF  }
0xc7: {  	_ =	shalt  }
tec
execute0_lowered:
.L_overlay_start_1:
0x0: {  	(tag) =	ssettag $0x1  }
0x1: {  	s5 =	rddreg [dreg:$0x0]  }
0x2: {  	s1 =	rddreg [dreg:$0x1]  }
0x3: {  	s3 =	rddreg [dreg:$0x2]  }
0x4: {  	s6 =	rddreg [dreg:$0x3];
	s4 =	srdreg.scid  }
0x5: {  	s0 =	rddreg [dreg:$0x4];
	s2 =	stileid.u32;
	s10 =	simm.s32 $0x9000  }
0x6: {  	s11 =	simm.s32 $0x4000;
	s12 =	simm.s32 $0x0;
	s7 =	sand.u32 $0x1, s4  }
0x7: {  	s4 =	simm.s32 $0x0;
	s8 =	sshll.u32 s2, $0xC;
	s9 =	sshll.u32 s7, $0xB  }
0x8: {  	v0 =	vlaneseq.u32;
	[smem:$0x7FF] =	sst s4;
	s7 =	ssub.s32 $0x2, s7;
	s8 =	sor.u32 s9, s8  }
0x9: {  	v1 =	vmul.u32 $0x80, v0;
	_ =	strace $0x80000047;
	s31 =	sshrl.u32 s7, $0x1;
	s9 =	simm.s32 $0x8000  }
0xa: {  	s6 =	sadd.s32 s8, s6;
	s7 =	ssub.s32 s7, s31;
	s5 =	sadd.s32 s5, s8  }
0xb: {  	v2 =	vadd.s32 $0xA, v0;
	v3 =	vadd.s32 $0x500, v1;
	s8 =	simm.s32 $0x1;
	s6 =	sadd.s32 $0xA00, s6;
	s7 =	smax.u32 s7, $0x1  }
.LBB2_1:
0xc: {  	[tilespmem:s4], [sflag:$0x1] =	stream.linear.gather [hbm4b:s5+s4], $0x4000, $0x38;
	[tilespmem:$0x9080] =	vst v63  }
0xd: {  	_ =	swait.ge [sflag:s8], $0x4000  }
0xe: {  	[sflag:s8] =	ssyncset.done $0x0  }
0xf: {  	[sflag:s8] =	ssyncadd.s32 $0xFFFFC000  }
0x10: {  	[tilespmem:s9], [sflag:$0x1] =	stream.linear.gather [hbm4b:s1+s4], $0xD00, $0x38;
	[tilespmem:$0x9080] =	vst v63  }
0x11: {  	_ =	swait.ge [sflag:s8], $0xD00  }
0x12: {  	[sflag:s8] =	ssyncset.done $0x0  }
0x13: {  	[sflag:s8] =	ssyncadd.s32 $0xFFFFF300  }
0x14: {  	[tilespmem:s10], [sflag:$0x1] =	stream.linear.gather [hbm4b:s3+s4], $0x80, $0x38;
	[tilespmem:$0x9080] =	vst v63  }
0x15: {  	_ =	swait.ge [sflag:s8], $0x80  }
0x16: {  	[sflag:s8] =	ssyncset.done $0x0  }
0x17: {  	[sflag:s8] =	ssyncadd.s32 $0xFFFFFF80  }
0x18: {  	s13 =	simm.s32 $0x0;
	v5 =	vld.idx.msk [tilespmem:v0+s10+$0x0], $0xffff  }
0x19: {  	v6 =	vld [tilespmem:s13+$0x0];
	_ =	sdelay $0x3  }
0x1a: {  	s14 =	simm.s32 $0x80;
	v4 =	vld.idx.msk [tilespmem:v2+s10+$0x0], $0xffff  }
0x1b: {  	v7 =	vld [tilespmem:s14+$0x0];
	v6 =	vsub.s32 v6, v5  }
0x1c: {  	v8 =	vld [tilespmem:s13+$0xA];
	v6 =	vadd.s32 v1, v6;
	_ =	sdelay $0x2  }
0x1d: {  	s15 =	simm.s32 $0x100  }
0x1e: {  	v9 =	vld [tilespmem:s15+$0x0];
	v7 =	vsub.s32 v7, v5  }
0x1f: {  	v8 =	vsub.s32 v8, v4;
	v7 =	vadd.s32 v1, v7;
	v6 =	vld.idx.msk [tilespmem:v6+s9+$0x0], $0xffff  }
0x20: {  	v10 =	vld [tilespmem:s14+$0xA];
	v11 =	vadd.s32 v3, v8;
	_ =	sdelay $0x1  }
0x21: {  	s16 =	simm.s32 $0x180  }
0x22: {  	v8 =	vld [tilespmem:s16+$0x0]  }
0x23: {  	v9 =	vsub.s32 v9, v5;
	v7 =	vld.idx.msk [tilespmem:v7+s9+$0x0], $0xffff;
	[tilespmem:s13+$0x4000] =	vst v6  }
0x24: {  	v12 =	vsub.s32 v10, v4;
	v10 =	vadd.s32 v1, v9;
	v6 =	vld.idx.msk [tilespmem:v11+s9+$0x0], $0xffff  }
0x25: {  	s17 =	simm.s32 $0x800;
	v9 =	vadd.s32 v3, v12;
	v11 =	vld [tilespmem:s15+$0xA]  }
.LBB2_2:
0x26: {  	p0 =	sne.s32 s17, $0xFE00  }
.Ltmp0:
0x27: {  	s18 =	sshra.s32 s17, $0x2;
	v12 =	vmov v8;
	(pc) =	sbr.rel @p0 .LBB2_2-.Ltmp0, $4  }
0x28: {  	v8 =	vld [tilespmem:s18+$0x0]  }
0x29: {  	s17 =	sadd.s32 $0x200, s17;
	v12 =	vsub.s32 v12, v5;
	[tilespmem:s14+$0x4000] =	vst v7;
	v7 =	vld.idx.msk [tilespmem:v10+s9+$0x0], $0xffff  }
0x2a: {  	v10 =	vadd.s32 v1, v12;
	v12 =	vsub.s32 v11, v4;
	[tilespmem:s13+$0x400A] =	vst v6;
	v6 =	vld.idx.msk [tilespmem:v9+s9+$0x0], $0xffff;
	s13 =	smov.u32 s14;
	s14 =	smov.u32 s15;
	s15 =	smov.u32 s16  }
0x2b: {  	s16 =	smov.u32 s18;
	v11 =	vld [tilespmem:s15+$0xA];
	v9 =	vadd.s32 v3, v12  }
0x2c: {  	_ = 	snop  }
0x2d: {  	v5 =	vsub.s32 v8, v5  }
0x2e: {  	v62 =	vld [tilespmem:s16+$0xA];
	v5 =	vadd.s32 v1, v5;
	_ =	sdelay $0x3  }
0x2f: {  	v10 =	vld.idx.msk [tilespmem:v10+s9+$0x0], $0xffff;
	v11 =	vsub.s32 v11, v4  }
0x30: {  	v11 =	vadd.s32 v3, v11;
	v4 =	vsub.s32 v62, v4;
	v5 =	vld.idx.msk [tilespmem:v5+s9+$0x0], $0xffff  }
0x31: {  	v4 =	vadd.s32 v3, v4;
	_ =	sdelay $0x1  }
0x32: {  	[tilespmem:s14+$0x4000] =	vst v7  }
0x33: {  	v7 =	vld.idx.msk [tilespmem:v9+s9+$0x0], $0xffff;
	[tilespmem:s15+$0x4000] =	vst v10  }
0x34: {  	v63 =	vld.idx.msk [tilespmem:v11+s9+$0x0], $0xffff;
	[tilespmem:s16+$0x4000] =	vst v5  }
0x35: {  	v4 =	vld.idx.msk [tilespmem:v4+s9+$0x0], $0xffff;
	_ =	sdelay $0x1  }
0x36: {  	[tilespmem:s13+$0x400A] =	vst v6  }
0x37: {  	s12 =	sadd.s32 $0x1, s12;
	[tilespmem:s14+$0x400A] =	vst v7  }
0x38: {  	p0 =	sne.s32 s12, s7;
	[tilespmem:s15+$0x400A] =	vst v63  }
.Ltmp1:
0x39: {  	[tilespmem:s16+$0x400A] =	vst v4;
	(pc) =	sbr.rel @p0 .LBB2_1-.Ltmp1, $4  }
0x3a: {  	[hbm4b:s6+s4] =	stream.linear.scatter [tilespmem:s11], [sflag:$0x1], $0x4000, $0x38;
	[tilespmem:$0x9080] =	vst v63  }
0x3b: {  	_ =	swait.ge [sflag:s8], $0x4000  }
0x3c: {  	[sflag:s8] =	ssyncset.done $0x0  }
0x3d: {  	[sflag:s8] =	ssyncadd.s32 $0xFFFFC000  }
0x3e: {  	_ =	sfence.sel $0x180000  }
0x3f: {  	[bflag:$0x0] =	sbarrier.arrive $0xFFFF  }
0x40: {  	p0 =	sne.s32 s2, $0x0;
	_ =	strace $0x90000047  }
0x41: {  	s0 =	sadd.s32 @!p0 $0x100000, s0;
	[bflag:$0x2] =	sbarrier.arrive $0xFFFF  }
0x42: {  	[sflag:s0] =	ssyncadd.tile.s32 @!p0 $0x1;
	_ =	shalt  }
.Lfunc_end2:
_tile_overlayer_lowered:
.L_overlay_start_2:
0x43: {  	(tag) =	ssettag $0x2  }
0x44: {  	s0 =	rddreg [dreg:$0x0];
	s2 =	stileid.u32  }
0x45: {  	s1 =	rddreg [dreg:$0x1];
	p0 =	sne.s32 s2, $0x0  }
0x46: {  	s3 =	rddreg [dreg:$0x2];
	[bflag:$0x3] =	sbarrier.arrive $0xFFFF;
	s2 =	simm.s32 @!p0 $0x1C01  }
0x47: {  	[timem:s3], [sflag:s2] =	dma.local @!p0 [hbm:s0], s1  }
0x48: {  	s0 =	simm.s32 @!p0 $0x1  }
0x49: {  	_ =	swait.ge @!p0 [sflag:s0], s1  }
0x4a: {  	s1 =	ssub.s32 @!p0 $0x0, s1;
	[sflag:s0] =	ssyncset.done @!p0 $0x0  }
0x4b: {  	[sflag:s0] =	ssyncadd.s32 @!p0 s1  }
0x4c: {  	[bflag:$0x3] =	sbarrier.arrive $0xFFFF  }
0x4d: {  	_ =	shalt  }

</sc_bundles>
